<compile_context>
chip_gen: v7x
topology: tpu7x:2x2x1
jax: 0.10.2.dev20260603
libtpu: 0.0.44.dev20260713+nightly
codegen_flags: <defaults>
</compile_context>

<pallas_src>
import functools

import jax
import jax.numpy as jnp
from jax import lax
from jax.experimental import pallas as pl
from jax.experimental.pallas import tpu as pltpu
from jax.experimental.pallas import tpu_sc as plsc

STRENGTH = 0.9
THRESHOLD = 0.5

ROWS, COLS = 16384, 1024
NC, NS, L = 2, 16, 16
NW = NC * NS
SC_ROWS = 2048
RPW = SC_ROWS // NW
TC_BR = 2048

_MESH = plsc.VectorSubcoreMesh(
    core_axis_name="c", subcore_axis_name="s", num_cores=NC, num_subcores=NS
)


@functools.partial(
    pl.kernel,
    out_type=jax.ShapeDtypeStruct((SC_ROWS, COLS), jnp.float32),
    mesh=_MESH,
    scratch_types=[
        pltpu.VMEM((RPW, COLS), jnp.float32),
        pltpu.SemaphoreType.DMA,
    ],
    compiler_params=pltpu.CompilerParams(needs_layout_passes=False),
)
def _sc_tile(z_hbm, t_hbm, buf, sem):
    wid = lax.axis_index("s") * NC + lax.axis_index("c")
    base = wid * RPW
    pltpu.async_copy(z_hbm.at[pl.ds(base, RPW)], buf, sem).wait()
    rid = jnp.arange(L, dtype=jnp.int32)
    zero16 = jnp.zeros((L,), jnp.int32)
    for h in range(RPW // L):
        r = rid + h * L
        vals = plsc.load_gather(buf, [r, zero16])
        wet = STRENGTH / (1.0 + jnp.exp((THRESHOLD - vals) * 10.0))
        plsc.store_scatter(buf, [r, zero16 + 1], wet)
    pltpu.sync_copy(buf, t_hbm.at[pl.ds(base, RPW)])


def _bulk_body(z_ref, o_ref):
    zb = z_ref[...]
    wet = jax.nn.sigmoid((zb[:, 0:1] - THRESHOLD) * 10.0) * STRENGTH
    lane = lax.broadcasted_iota(jnp.int32, zb.shape, 1)
    o_ref[...] = jnp.where(lane == 1, wet, zb)


def _tc_bulk(z):
    grid = ((ROWS - SC_ROWS) // TC_BR,)
    return pl.pallas_call(
        _bulk_body,
        grid=grid,
        in_specs=[pl.BlockSpec((TC_BR, COLS), lambda i: (i + 1, 0))],
        out_specs=pl.BlockSpec((TC_BR, COLS), lambda i: (i + 1, 0)),
        out_shape=jax.ShapeDtypeStruct((ROWS, COLS), jnp.float32),
    )(z)


def _merge_body(t_ref, a_ref, o_ref):
    o_ref[...] = t_ref[...]


def _tc_merge(t, a):
    return pl.pallas_call(
        _merge_body,
        grid=(1,),
        in_specs=[
            pl.BlockSpec((SC_ROWS, COLS), lambda i: (0, 0)),
            pl.BlockSpec(memory_space=pltpu.MemorySpace.HBM),
        ],
        out_specs=pl.BlockSpec((SC_ROWS, COLS), lambda i: (0, 0)),
        out_shape=jax.ShapeDtypeStruct((ROWS, COLS), jnp.float32),
        input_output_aliases={1: 0},
    )(t, a)


def kernel(z):
    t = _sc_tile(z)
    a = _tc_bulk(z)
    return _tc_merge(t, a)

# --- scband reference (transcript-rebuilt; emitter-appended) ---
"""Pipeline reference for scband-causal-symbolic-layer-71906342469924 (READ-ONLY COPY).

The authoritative reference and input builder live on the scoring server;
editing this copy changes nothing except your own understanding.
"""

import jax, jax.numpy as jnp
import numpy as np

STRENGTH = 0.9
THRESHOLD = 0.5
RAIN_IDX = 0
WET_GROUND_IDX = 1


def setup_inputs(seed: int = 0) -> dict:
    key = jax.random.key(seed)
    z = jax.random.normal(key, (16384, 1024), dtype=jnp.float32)
    return {"z": z}


def reference(z):
    # Faithful translation of CausalSymbolicLayer.forward with
    # causal_rules = {'rain': {'strength': 0.9, 'threshold': 0.5}}.
    # torch does an in-place column write z[:, 1] = ...; in jax we use
    # a functional scatter-overwrite via .at[...].set(...).
    rain_intensity = z[:, RAIN_IDX]
    ground_wetness = jax.nn.sigmoid((rain_intensity - THRESHOLD) * 10.0) * STRENGTH
    z_out = z.at[:, WET_GROUND_IDX].set(ground_wetness)
    return z_out

if __name__ == "__main__":
    import jax
    _d = setup_inputs()
    print(jax.jit(kernel)(*tuple(_d.values())))

</pallas_src>

<mosaic_0001>
#map = affine_map<(d0, d1) -> (0, 0)>
module attributes {stable_mosaic.version = 14 : i64} {
  func.func @_sc_tile(%arg0: i32, %arg1: i32, %arg2: memref<16384x1024xf32, #tpu.memory_space<hbm>>, %arg3: memref<2048x1024xf32, #tpu.memory_space<hbm>>, %arg4: memref<64x1024xf32, #tpu.memory_space<vmem>>, %arg5: memref<!tpu.dma_semaphore, #tpu.memory_space<semaphore_mem>>) attributes {dimension_semantics = [#tpu.dimension_semantics<core_parallel>, #tpu.dimension_semantics<subcore_parallel>], iteration_bounds = array<i64: 2, 16>, scalar_prefetch = 0 : i64, scratch_operands = 2 : i64, tpu.core_type = #tpu.core_type<sc_vector_subcore>, window_params = [{transform_indices = #map}, {transform_indices = #map}]} {
    %mul3A = arith.constant 2 : i32
    %mul3A_0 = arith.muli %arg1, %mul3A : i32
    %add3A = arith.addi %mul3A_0, %arg0 : i32
    %mul3A_1 = arith.constant 64 : i32
    %mul3A_2 = arith.muli %add3A, %mul3A_1 : i32
    %dma_start3A = arith.constant 0 : i32
    %dma_start3A_3 = tpu.memref_slice %arg2[%mul3A_2, %dma_start3A] : memref<16384x1024xf32, #tpu.memory_space<hbm>> -> memref<64x1024xf32, #tpu.memory_space<hbm>>
    %dma_start3A_4 = arith.constant 0 : i32
    %dma_start3A_5 = tpu.memref_slice %arg2[%mul3A_2, %dma_start3A_4] : memref<16384x1024xf32, #tpu.memory_space<hbm>> -> memref<64x1024xf32, #tpu.memory_space<hbm>>
    tpu.enqueue_dma source(%dma_start3A_5 : memref<64x1024xf32, #tpu.memory_space<hbm>>) target(%arg4 : memref<64x1024xf32, #tpu.memory_space<vmem>>) target_semaphore(%arg5 : memref<!tpu.dma_semaphore, #tpu.memory_space<semaphore_mem>>)
    %dma_wait3A = arith.constant 0 : i32
    %dma_wait3A_6 = tpu.memref_slice %arg2[%mul3A_2, %dma_wait3A] : memref<16384x1024xf32, #tpu.memory_space<hbm>> -> memref<64x1024xf32, #tpu.memory_space<hbm>>
    %dma_wait3A_7 = arith.constant 0 : i32
    %dma_wait3A_8 = tpu.memref_slice %arg2[%mul3A_2, %dma_wait3A_7] : memref<16384x1024xf32, #tpu.memory_space<hbm>> -> memref<64x1024xf32, #tpu.memory_space<hbm>>
    tpu.wait_dma2 semaphore(%arg5 : memref<!tpu.dma_semaphore, #tpu.memory_space<semaphore_mem>>) src(%dma_wait3A_8 : memref<64x1024xf32, #tpu.memory_space<hbm>>) dst(%arg4 : memref<64x1024xf32, #tpu.memory_space<vmem>>)
    %iota3A = tpu.iota {dimensions = array<i32: 0>} : vector<16xi32>
    %broadcast_in_dim3A = arith.constant 0 : i32
    %broadcast_in_dim3A_9 = vector.broadcast %broadcast_in_dim3A : i32 to vector<16xi32>
    %add3A_10 = arith.constant 0 : i32
    %add3A_11 = vector.broadcast %add3A_10 : i32 to vector<16xi32>
    %add3A_12 = arith.addi %iota3A, %add3A_11 : vector<16xi32>
    %gather3A = tpu.vector_load_idx %arg4[%add3A_12, %broadcast_in_dim3A_9] : memref<64x1024xf32, #tpu.memory_space<vmem>>[vector<16xi32>, vector<16xi32>], vector<16xf32>,
    %sub3A = arith.constant 5.000000e-01 : f32
    %sub3A_13 = vector.broadcast %sub3A : f32 to vector<16xf32>
    %sub3A_14 = arith.subf %sub3A_13, %gather3A : vector<16xf32>
    %mul3A_15 = arith.constant 1.000000e+01 : f32
    %mul3A_16 = vector.broadcast %mul3A_15 : f32 to vector<16xf32>
    %mul3A_17 = arith.mulf %sub3A_14, %mul3A_16 : vector<16xf32>
    %exp3A = math.exp %mul3A_17 : vector<16xf32>
    %add3A_18 = arith.constant 1.000000e+00 : f32
    %add3A_19 = vector.broadcast %add3A_18 : f32 to vector<16xf32>
    %add3A_20 = arith.addf %add3A_19, %exp3A : vector<16xf32>
    %div3A = arith.constant 0.899999976 : f32
    %div3A_21 = vector.broadcast %div3A : f32 to vector<16xf32>
    %div3A_22 = arith.divf %div3A_21, %add3A_20 : vector<16xf32>
    %add3A_23 = arith.constant 1 : i32
    %add3A_24 = vector.broadcast %add3A_23 : i32 to vector<16xi32>
    %add3A_25 = arith.addi %broadcast_in_dim3A_9, %add3A_24 : vector<16xi32>
    tpu.vector_store_idx %arg4[%add3A_12, %add3A_25], %div3A_22 : memref<64x1024xf32, #tpu.memory_space<vmem>>[vector<16xi32>, vector<16xi32>], vector<16xf32>,
    %add3A_26 = arith.constant 16 : i32
    %add3A_27 = vector.broadcast %add3A_26 : i32 to vector<16xi32>
    %add3A_28 = arith.addi %iota3A, %add3A_27 : vector<16xi32>
    %gather3A_29 = tpu.vector_load_idx %arg4[%add3A_28, %broadcast_in_dim3A_9] : memref<64x1024xf32, #tpu.memory_space<vmem>>[vector<16xi32>, vector<16xi32>], vector<16xf32>,
    %sub3A_30 = arith.constant 5.000000e-01 : f32
    %sub3A_31 = vector.broadcast %sub3A_30 : f32 to vector<16xf32>
    %sub3A_32 = arith.subf %sub3A_31, %gather3A_29 : vector<16xf32>
    %mul3A_33 = arith.constant 1.000000e+01 : f32
    %mul3A_34 = vector.broadcast %mul3A_33 : f32 to vector<16xf32>
    %mul3A_35 = arith.mulf %sub3A_32, %mul3A_34 : vector<16xf32>
    %exp3A_36 = math.exp %mul3A_35 : vector<16xf32>
    %add3A_37 = arith.constant 1.000000e+00 : f32
    %add3A_38 = vector.broadcast %add3A_37 : f32 to vector<16xf32>
    %add3A_39 = arith.addf %add3A_38, %exp3A_36 : vector<16xf32>
    %div3A_40 = arith.constant 0.899999976 : f32
    %div3A_41 = vector.broadcast %div3A_40 : f32 to vector<16xf32>
    %div3A_42 = arith.divf %div3A_41, %add3A_39 : vector<16xf32>
    %add3A_43 = arith.constant 1 : i32
    %add3A_44 = vector.broadcast %add3A_43 : i32 to vector<16xi32>
    %add3A_45 = arith.addi %broadcast_in_dim3A_9, %add3A_44 : vector<16xi32>
    tpu.vector_store_idx %arg4[%add3A_28, %add3A_45], %div3A_42 : memref<64x1024xf32, #tpu.memory_space<vmem>>[vector<16xi32>, vector<16xi32>], vector<16xf32>,
    %add3A_46 = arith.constant 32 : i32
    %add3A_47 = vector.broadcast %add3A_46 : i32 to vector<16xi32>
    %add3A_48 = arith.addi %iota3A, %add3A_47 : vector<16xi32>
    %gather3A_49 = tpu.vector_load_idx %arg4[%add3A_48, %broadcast_in_dim3A_9] : memref<64x1024xf32, #tpu.memory_space<vmem>>[vector<16xi32>, vector<16xi32>], vector<16xf32>,
    %sub3A_50 = arith.constant 5.000000e-01 : f32
    %sub3A_51 = vector.broadcast %sub3A_50 : f32 to vector<16xf32>
    %sub3A_52 = arith.subf %sub3A_51, %gather3A_49 : vector<16xf32>
    %mul3A_53 = arith.constant 1.000000e+01 : f32
    %mul3A_54 = vector.broadcast %mul3A_53 : f32 to vector<16xf32>
    %mul3A_55 = arith.mulf %sub3A_52, %mul3A_54 : vector<16xf32>
    %exp3A_56 = math.exp %mul3A_55 : vector<16xf32>
    %add3A_57 = arith.constant 1.000000e+00 : f32
    %add3A_58 = vector.broadcast %add3A_57 : f32 to vector<16xf32>
    %add3A_59 = arith.addf %add3A_58, %exp3A_56 : vector<16xf32>
    %div3A_60 = arith.constant 0.899999976 : f32
    %div3A_61 = vector.broadcast %div3A_60 : f32 to vector<16xf32>
    %div3A_62 = arith.divf %div3A_61, %add3A_59 : vector<16xf32>
    %add3A_63 = arith.constant 1 : i32
    %add3A_64 = vector.broadcast %add3A_63 : i32 to vector<16xi32>
    %add3A_65 = arith.addi %broadcast_in_dim3A_9, %add3A_64 : vector<16xi32>
    tpu.vector_store_idx %arg4[%add3A_48, %add3A_65], %div3A_62 : memref<64x1024xf32, #tpu.memory_space<vmem>>[vector<16xi32>, vector<16xi32>], vector<16xf32>,
    %add3A_66 = arith.constant 48 : i32
    %add3A_67 = vector.broadcast %add3A_66 : i32 to vector<16xi32>
    %add3A_68 = arith.addi %iota3A, %add3A_67 : vector<16xi32>
    %gather3A_69 = tpu.vector_load_idx %arg4[%add3A_68, %broadcast_in_dim3A_9] : memref<64x1024xf32, #tpu.memory_space<vmem>>[vector<16xi32>, vector<16xi32>], vector<16xf32>,
    %sub3A_70 = arith.constant 5.000000e-01 : f32
    %sub3A_71 = vector.broadcast %sub3A_70 : f32 to vector<16xf32>
    %sub3A_72 = arith.subf %sub3A_71, %gather3A_69 : vector<16xf32>
    %mul3A_73 = arith.constant 1.000000e+01 : f32
    %mul3A_74 = vector.broadcast %mul3A_73 : f32 to vector<16xf32>
    %mul3A_75 = arith.mulf %sub3A_72, %mul3A_74 : vector<16xf32>
    %exp3A_76 = math.exp %mul3A_75 : vector<16xf32>
    %add3A_77 = arith.constant 1.000000e+00 : f32
    %add3A_78 = vector.broadcast %add3A_77 : f32 to vector<16xf32>
    %add3A_79 = arith.addf %add3A_78, %exp3A_76 : vector<16xf32>
    %div3A_80 = arith.constant 0.899999976 : f32
    %div3A_81 = vector.broadcast %div3A_80 : f32 to vector<16xf32>
    %div3A_82 = arith.divf %div3A_81, %add3A_79 : vector<16xf32>
    %add3A_83 = arith.constant 1 : i32
    %add3A_84 = vector.broadcast %add3A_83 : i32 to vector<16xi32>
    %add3A_85 = arith.addi %broadcast_in_dim3A_9, %add3A_84 : vector<16xi32>
    tpu.vector_store_idx %arg4[%add3A_68, %add3A_85], %div3A_82 : memref<64x1024xf32, #tpu.memory_space<vmem>>[vector<16xi32>, vector<16xi32>], vector<16xf32>,
    "tpu.region"() ({
      %run_scoped3A = tpu.sem_alloc : memref<!tpu.dma_semaphore, #tpu.memory_space<semaphore_mem>>
      %dma_start3A_86 = arith.constant 0 : i32
      %dma_start3A_87 = tpu.memref_slice %arg3[%mul3A_2, %dma_start3A_86] : memref<2048x1024xf32, #tpu.memory_space<hbm>> -> memref<64x1024xf32, #tpu.memory_space<hbm>>
      %dma_start3A_88 = arith.constant 0 : i32
      %dma_start3A_89 = tpu.memref_slice %arg3[%mul3A_2, %dma_start3A_88] : memref<2048x1024xf32, #tpu.memory_space<hbm>> -> memref<64x1024xf32, #tpu.memory_space<hbm>>
      tpu.enqueue_dma source(%arg4 : memref<64x1024xf32, #tpu.memory_space<vmem>>) target(%dma_start3A_89 : memref<64x1024xf32, #tpu.memory_space<hbm>>) target_semaphore(%run_scoped3A : memref<!tpu.dma_semaphore, #tpu.memory_space<semaphore_mem>>)
      %dma_wait3A_90 = arith.constant 0 : i32
      %dma_wait3A_91 = tpu.memref_slice %arg3[%mul3A_2, %dma_wait3A_90] : memref<2048x1024xf32, #tpu.memory_space<hbm>> -> memref<64x1024xf32, #tpu.memory_space<hbm>>
      %dma_wait3A_92 = arith.constant 0 : i32
      %dma_wait3A_93 = tpu.memref_slice %arg3[%mul3A_2, %dma_wait3A_92] : memref<2048x1024xf32, #tpu.memory_space<hbm>> -> memref<64x1024xf32, #tpu.memory_space<hbm>>
      tpu.wait_dma2 semaphore(%run_scoped3A : memref<!tpu.dma_semaphore, #tpu.memory_space<semaphore_mem>>) src(%arg4 : memref<64x1024xf32, #tpu.memory_space<vmem>>) dst(%dma_wait3A_93 : memref<64x1024xf32, #tpu.memory_space<hbm>>)
      tpu.yield
    }) : () -> ()
    return
  }
}

module attributes {stable_mosaic.version = 14 : i64} {
  func.func @_bulk_body(%arg0: i32, %arg1: memref<2048x1024xf32, #tpu.memory_space<vmem>>, %arg2: memref<2048x1024xf32, #tpu.memory_space<vmem>>) attributes {dimension_semantics = [#tpu.dimension_semantics<arbitrary>], iteration_bounds = array<i64: 7>, scalar_prefetch = 0 : i64, scratch_operands = 0 : i64, tpu.core_type = #tpu.core_type<tc>, window_params = [{transform_indices = @transform_0, window_bounds = array<i64: 2048, 1024>}, {transform_indices = @transform_1, window_bounds = array<i64: 2048, 1024>}]} {
    %get3A = arith.constant 0 : index
    %get3A_0 = arith.constant 0 : index
    %get3A_1 = vector.load %arg1[%get3A, %get3A_0] : memref<2048x1024xf32, #tpu.memory_space<vmem>>, vector<2048x1024xf32>
    %slice3A = vector.extract_strided_slice %get3A_1 {offsets = [0, 0], sizes = [2048, 1], strides = [1, 1]} : vector<2048x1024xf32> to vector<2048x1xf32>
    %sub3A = arith.constant 5.000000e-01 : f32
    %sub3A_2 = vector.broadcast %sub3A : f32 to vector<2048x1xf32>
    %sub3A_3 = arith.subf %slice3A, %sub3A_2 : vector<2048x1xf32>
    %mul3A = arith.constant 1.000000e+01 : f32
    %mul3A_4 = vector.broadcast %mul3A : f32 to vector<2048x1xf32>
    %mul3A_5 = arith.mulf %sub3A_3, %mul3A_4 : vector<2048x1xf32>
    %logistic3A = arith.negf %mul3A_5 : vector<2048x1xf32>
    %logistic3A_6 = math.exp %logistic3A : vector<2048x1xf32>
    %logistic3A_7 = arith.constant 1.000000e+00 : f32
    %logistic3A_8 = vector.broadcast %logistic3A_7 : f32 to vector<2048x1xf32>
    %logistic3A_9 = arith.addf %logistic3A_8, %logistic3A_6 : vector<2048x1xf32>
    %logistic3A_10 = arith.divf %logistic3A_8, %logistic3A_9 : vector<2048x1xf32>
    %mul3A_11 = arith.constant 0.899999976 : f32
    %mul3A_12 = vector.broadcast %mul3A_11 : f32 to vector<2048x1xf32>
    %mul3A_13 = arith.mulf %logistic3A_10, %mul3A_12 : vector<2048x1xf32>
    %iota3A = tpu.iota {dimensions = array<i32: 1>} : vector<2048x1024xi32>
    %eq3A = arith.constant 1 : i32
    %eq3A_14 = vector.broadcast %eq3A : i32 to vector<2048x1024xi32>
    %eq3A_15 = arith.cmpi eq, %iota3A, %eq3A_14 : vector<2048x1024xi32>
    %broadcast_in_dim3A = vector.shape_cast %mul3A_13 : vector<2048x1xf32> to vector<2048x1xf32>
    %broadcast_in_dim3A_16 = vector.broadcast %broadcast_in_dim3A : vector<2048x1xf32> to vector<2048x1024xf32>
    %select_n3A = arith.select %eq3A_15, %broadcast_in_dim3A_16, %get3A_1 : vector<2048x1024xi1>, vector<2048x1024xf32>
    %swap3A = arith.constant 0 : index
    %swap3A_17 = arith.constant 0 : index
    %swap3A_18 = vector.load %arg2[%swap3A, %swap3A_17] : memref<2048x1024xf32, #tpu.memory_space<vmem>>, vector<2048x1024xf32>
    tpu.vector_store %arg2[%swap3A, %swap3A_17], %select_n3A {strides = array<i32>} : memref<2048x1024xf32, #tpu.memory_space<vmem>>, vector<2048x1024xf32>,
    return
  }
  func.func @transform_0(%arg0: i32) -> (i32, i32) {
    %add3A = arith.constant 1 : i32
    %add3A_0 = arith.addi %arg0, %add3A : i32
    %c0_i32 = arith.constant 0 : i32
    %c0_i32_1 = arith.constant 0 : i32
    return %add3A_0, %c0_i32 : i32, i32
  }
  func.func @transform_1(%arg0: i32) -> (i32, i32) {
    %add3A = arith.constant 1 : i32
    %add3A_0 = arith.addi %arg0, %add3A : i32
    %c0_i32 = arith.constant 0 : i32
    %c0_i32_1 = arith.constant 0 : i32
    return %add3A_0, %c0_i32 : i32, i32
  }
}

module attributes {stable_mosaic.version = 14 : i64} {
  func.func @_merge_body(%arg0: i32, %arg1: memref<2048x1024xf32, #tpu.memory_space<vmem>>, %arg2: memref<16384x1024xf32, #tpu.memory_space<hbm>>, %arg3: memref<2048x1024xf32, #tpu.memory_space<vmem>>) attributes {dimension_semantics = [#tpu.dimension_semantics<arbitrary>], iteration_bounds = array<i64: 1>, scalar_prefetch = 0 : i64, scratch_operands = 0 : i64, tpu.core_type = #tpu.core_type<tc>, window_params = [{pipeline_mode = #tpu.pipeline_mode<synchronous>, transform_indices = @transform_0, window_bounds = array<i64: 2048, 1024>}, {}, {transform_indices = @transform_2, window_bounds = array<i64: 2048, 1024>}]} {
    %get3A = arith.constant 0 : index
    %get3A_0 = arith.constant 0 : index
    %get3A_1 = vector.load %arg1[%get3A, %get3A_0] : memref<2048x1024xf32, #tpu.memory_space<vmem>>, vector<2048x1024xf32>
    %swap3A = arith.constant 0 : index
    %swap3A_2 = arith.constant 0 : index
    %swap3A_3 = vector.load %arg3[%swap3A, %swap3A_2] : memref<2048x1024xf32, #tpu.memory_space<vmem>>, vector<2048x1024xf32>
    tpu.vector_store %arg3[%swap3A, %swap3A_2], %get3A_1 {strides = array<i32>} : memref<2048x1024xf32, #tpu.memory_space<vmem>>, vector<2048x1024xf32>,
    return
  }
  func.func @transform_0(%arg0: i32) -> (i32, i32) {
    %c0_i32 = arith.constant 0 : i32
    %c0_i32_0 = arith.constant 0 : i32
    %c0_i32_1 = arith.constant 0 : i32
    return %c0_i32, %c0_i32_0 : i32, i32
  }
  func.func @transform_2(%arg0: i32) -> (i32, i32) {
    %c0_i32 = arith.constant 0 : i32
    %c0_i32_0 = arith.constant 0 : i32
    %c0_i32_1 = arith.constant 0 : i32
    return %c0_i32, %c0_i32_0 : i32, i32
  }
}

</mosaic_0001>

<sc_bundles>
// kernel: kernel.5.cloned.1.call-start
scs
__scs_entry_jumppad:
0x0: {  	(pc) =	sbr.rel $0x88, $3  }
0x1: {  	(tag) =	ssettag $0x0;
	lr =	simm.s32 $0x1  }
0x2: {  	[smem:$0x3FA0] =	sst lr;
	_ =	strace $0xD0000000  }
0x3: {  	_ = 	snop  }
0x4: {  	_ = 	snop  }
0x5: {  	_ = 	snop  }
0x6: {  	_ = 	snop  }
0x7: {  	_ = 	snop  }
__scs_overlays_trampoline_lowered:
0x8: {  	[smem:$0x3FAF] =	sst s0  }
0x9: {  	[smem:$0x3FB0] =	sst s1  }
0xa: {  	[smem:$0x3FB1] =	sst s2  }
0xb: {  	[smem:$0x3FB2] =	sst s3  }
0xc: {  	[smem:$0x3FB3] =	sst s4  }
0xd: {  	[smem:$0x3FB4] =	sst s5  }
0xe: {  	[smem:$0x3FB5] =	sst s6  }
0xf: {  	[smem:$0x3FB6] =	sst s7  }
0x10: {  	[smem:$0x3FB7] =	sst s8  }
0x11: {  	[smem:$0x3FB8] =	sst s9;
	s0 =	simm.s32 @!p0 $0x0  }
0x12: {  	s1 =	sld [smem:$0x3F9E];
	s0 =	simm.s32 @p0 $0x1  }
0x13: {  	[smem:$0x3FB9] =	sst s0;
	s0 =	simm.s32 @!p1 $0x0  }
0x14: {  	s2 =	sld [smem:$0x3F9D];
	s0 =	simm.s32 @p1 $0x1  }
0x15: {  	[smem:$0x3FBA] =	sst s0;
	s0 =	simm.s32 @!p2 $0x0  }
0x16: {  	s3 =	sld [smem:$0x3FDB];
	s0 =	simm.s32 @p2 $0x1  }
0x17: {  	s4 =	simm.s32 $0x1BF5;
	[smem:$0x3FBC] =	sst s0  }
0x18: {  	s0 =	sld [smem:$0x3F9F];
	_ =	swait.ge [sflag:s4], $0x0  }
0x19: {  	s7 =	sld [smem:$0x3FA0]  }
0x1a: {  	s8 =	sadd.s32 $0xFFFFE003, lr  }
0x1b: {  	s9 =	sadd.s32 $0xFFFFFEF7, lr;
	s5 =	simm.s32 $0xFFFFFFFF;
	p2 =	slt.u32 s8, $0xFFFFF086  }
0x1c: {  	p1 =	slt.u32 s9, $0xF7A;
	s5 =	simm.s32 @!p2 $0x0  }
0x1d: {  	s5 =	simm.s32 @p1 $0x1;
	p0 =	seq.s32 s7, s2  }
0x1e: {  	s7 =	smul.u32 @!p0 $0xF7A, s2;
	p2 =	seq.s32 @!p0 s5, $0x0  }
0x1f: {  	s9 =	smul.u32 $0xF7A, s1;
	s8 =	simm.s32 @!p0 $0x1BF5;
	p2 =	por !p2, p0  }
0x20: {  	[sflag:s8] =	ssyncset.s32 @!p0 $0xFFFFF086;
	s6 =	sadd.s32 @!p0 s3, s7;
	s7 =	simm.s32 @!p0 $0x108  }
0x21: {  	s3 =	sadd.s32 s3, s9;
	s6 =	sadd.s32 @!p0 $0x88, s6;
	s7 =	simm.s32 @p2 $0x1082  }
0x22: {  	[simem:s7], [sflag:s8] =	dma.local @!p0 [hbm:s6], $0xF7A  }
0x23: {  	s9 =	sor.u32 $0xD0000000, s2;
	s6 =	simm.s32 $0x108;
	_ =	swait.ge @!p0 [sflag:s8], $0x0  }
0x24: {  	s3 =	sadd.s32 $0x88, s3;
	s6 =	simm.s32 @!p1 $0x1082;
	[sflag:s4] =	ssyncset.s32 $0xFFFFF086  }
0x25: {  	[simem:s6], [sflag:s4] =	dma.local [hbm:s3], $0xF7A  }
0x26: {  	[smem:$0x3FA0] =	sst s1;
	(tag) =	ssettag s2;
	_ =	strace s9  }
0x27: {  	s1 =	sld [smem:$0x3FB0]  }
0x28: {  	s2 =	sld [smem:$0x3FB1]  }
0x29: {  	s4 =	sld [smem:$0x3FB3]  }
0x2a: {  	p0 =	seq.s32 s5, $0x0;
	s5 =	sld [smem:$0x3FB4]  }
0x2b: {  	s6 =	sld [smem:$0x3FB5]  }
0x2c: {  	s7 =	sld [smem:$0x3FB6]  }
0x2d: {  	s3 =	simm.s32 $0x108;
	s8 =	sld [smem:$0x3FB7]  }
0x2e: {  	s3 =	simm.s32 @!p0 $0x1082;
	s9 =	sld [smem:$0x3FB8]  }
0x2f: {  	lr =	sadd.s32 s0, s3;
	s0 =	sld [smem:$0x3FAF]  }
0x30: {  	s3 =	sld [smem:$0x3FB2]  }
0x31: {  	[smem:$0x3FBB] =	sst s10  }
0x32: {  	s10 =	sld [smem:$0x3FB9];
	_ =	sdelay $0x3  }
0x33: {  	p0 =	seq.s32 s10, $0x1;
	s10 =	sld [smem:$0x3FBB];
	_ =	sdelay $0x3  }
0x34: {  	[smem:$0x3FBB] =	sst s10  }
0x35: {  	s10 =	sld [smem:$0x3FBA];
	_ =	sdelay $0x3  }
0x36: {  	p1 =	seq.s32 s10, $0x1;
	s10 =	sld [smem:$0x3FBB];
	_ =	sdelay $0x3  }
0x37: {  	[smem:$0x3FBB] =	sst s10  }
0x38: {  	s10 =	sld [smem:$0x3FBC]  }
0x39: {  	_ = 	snop;
	(pc) =	sbr.ind lr, $3  }
0x3a: {  	_ = 	snop  }
0x3b: {  	_ = 	snop  }
0x3c: {  	p2 =	seq.s32 s10, $0x1;
	s10 =	sld [smem:$0x3FBB]  }
0x3d: {  	_ =	shalt  }
0x3e: {  	_ =	shalt  }
0x3f: {  	_ =	shalt  }
0x40: {  	_ =	shalt  }
0x41: {  	_ =	shalt  }
0x42: {  	_ =	shalt  }
0x43: {  	_ =	shalt  }
0x44: {  	_ =	shalt  }
0x45: {  	_ =	shalt  }
0x46: {  	_ =	shalt  }
0x47: {  	_ =	shalt  }
0x48: {  	_ =	shalt  }
0x49: {  	_ =	shalt  }
0x4a: {  	_ =	shalt  }
0x4b: {  	_ =	shalt  }
0x4c: {  	_ =	shalt  }
0x4d: {  	_ =	shalt  }
0x4e: {  	_ =	shalt  }
0x4f: {  	_ =	shalt  }
0x50: {  	_ =	shalt  }
0x51: {  	_ =	shalt  }
0x52: {  	_ =	shalt  }
0x53: {  	_ =	shalt  }
0x54: {  	_ =	shalt  }
0x55: {  	_ =	shalt  }
0x56: {  	_ =	shalt  }
0x57: {  	_ =	shalt  }
0x58: {  	_ =	shalt  }
0x59: {  	_ =	shalt  }
0x5a: {  	_ =	shalt  }
0x5b: {  	_ =	shalt  }
0x5c: {  	_ =	shalt  }
0x5d: {  	_ =	shalt  }
0x5e: {  	_ =	shalt  }
0x5f: {  	_ =	shalt  }
0x60: {  	_ =	shalt  }
0x61: {  	_ =	shalt  }
0x62: {  	_ =	shalt  }
0x63: {  	_ =	shalt  }
0x64: {  	_ =	shalt  }
0x65: {  	_ =	shalt  }
0x66: {  	_ =	shalt  }
0x67: {  	_ =	shalt  }
0x68: {  	_ =	shalt  }
0x69: {  	_ =	shalt  }
0x6a: {  	_ =	shalt  }
0x6b: {  	_ =	shalt  }
0x6c: {  	_ =	shalt  }
0x6d: {  	_ =	shalt  }
0x6e: {  	_ =	shalt  }
0x6f: {  	_ =	shalt  }
0x70: {  	_ =	shalt  }
0x71: {  	_ =	shalt  }
0x72: {  	_ =	shalt  }
0x73: {  	_ =	shalt  }
0x74: {  	_ =	shalt  }
0x75: {  	_ =	shalt  }
0x76: {  	_ =	shalt  }
0x77: {  	_ =	shalt  }
0x78: {  	_ =	shalt  }
0x79: {  	_ =	shalt  }
0x7a: {  	_ =	shalt  }
0x7b: {  	_ =	shalt  }
0x7c: {  	_ =	shalt  }
0x7d: {  	_ =	shalt  }
0x7e: {  	_ =	shalt  }
0x7f: {  	_ =	shalt  }
0x80: {  	_ =	shalt  }
0x81: {  	_ =	shalt  }
0x82: {  	_ =	shalt  }
0x83: {  	_ =	shalt  }
0x84: {  	_ =	shalt  }
0x85: {  	_ =	shalt  }
0x86: {  	_ =	shalt  }
0x87: {  	_ =	shalt  }
.Lfunc_end0:
.L_simem_size_0:
called_computation_lowered:
.L_overlay_start_0:
0x88: {  	s2 =	sld [smem:$0x3FD9]  }
0x89: {  	s3 =	sld [smem:$0x3FFE];
	_ =	sdelay $0x1  }
0x8a: {  	s1 =	srdreg.scid  }
0x8b: {  	s0 =	sand.u32 $0x1, s1  }
0x8c: {  	s17 =	sshll.u32 s0, $0xA;
	s2 =	sadd.s32 s3, s2  }
0x8d: {  	s2 =	sadd.s32 s2, s17  }
0x8e: {  	[smem:$0x3FC7] =	sst s2  }
0x8f: {  	_ = 	snop  }
0x90: {  	s2 =	sld [smem:$0x3FC9];
	(tm) =	ssettm $0x1  }
0x91: {  	s18 =	sld [smem:$0x3FFB];
	_ =	sdelay $0x3  }
0x92: {  	_ =	strace s18  }
0x93: {  	s3 =	sld [smem:$0x3FFC];
	_ =	sdelay $0x3  }
0x94: {  	_ =	strace s3  }
0x95: {  	s3 =	sld [smem:$0x3FFD];
	_ =	sdelay $0x3  }
0x96: {  	_ =	strace s3  }
0x97: {  	_ =	strace $0x8FFFFFFF  }
0x98: {  	s19 =	sld [smem:$0x3FDB];
	_ =	sdelay $0x1  }
0x99: {  	s4 =	simm.s32 $_scs_section_size  }
0x9a: {  	s5 =	simm.s32 $_size__tile_overlayer_lowered;
	s6 =	simm.s32 $_tile_overlayer_lowered  }
0x9b: {  	s22 =	simm.s32 $0x1BFF;
	s21 =	sshll.u32 s6, $0x1;
	s3 =	sadd.s32 s4, s19  }
0x9c: {  	s7 =	simm.s32 $0x0;
	s20 =	sshll.u32 s5, $0x1;
	s5 =	sadd.s32 s21, s3  }
0x9d: {  	[timem:s7], [sflag:s22] =	dma.local [hbm:s5], s20  }
0x9e: {  	_ =	swait.ge [sflag:s22], s20  }
0x9f: {  	s4 =	ssub.s32 $0x0, s20;
	[sflag:s22] =	ssyncset.done $0x0  }
0xa0: {  	[sflag:s22] =	ssyncadd.s32 s4;
	_ =	sdelay $0x1  }
0xa1: {  	s23 =	simm.s32 $0x1B8B  }
0xa2: {  	_ =	swait.ge [sflag:s23], $0x1  }
0xa3: {  	[sflag:s23] =	ssyncset.done $0x0  }
0xa4: {  	s25 =	simm.s32 $0x1B8E;
	s24 =	sld [smem:$0x3FFE];
	[sflag:s23] =	ssyncadd.s32 $0xFFFFFFFF  }
0xa5: {  	s26 =	simm.s32 $execute0_lowered;
	[smem:$0x3FD2] =	sst s25  }
0xa6: {  	s5 =	sshll.u32 s26, $0x1;
	_ =	strace $0x80000046;
	[dreg:$0x1] =	wrdreg $0xFFFFFFFF  }
0xa7: {  	s28 =	simm.s32 $_size_execute0_lowered;
	s3 =	sadd.s32 s3, s5;
	[dreg:$0x0] =	wrdreg $0x0  }
0xa8: {  	s5 =	sshll.u32 s28, $0x1;
	[dreg:$0x2] =	wrdreg s3  }
0xa9: {  	[dreg:$0x3] =	wrdreg s5  }
0xaa: {  	[dreg:$0x4] =	wrdreg $0xC0  }
0xab: {  	_ =	task [dreg:s7], $0x5FFFF  }
0xac: {  	[dreg:$0x1] =	wrdreg $0xFFFFFFFF  }
0xad: {  	[dreg:$0x0] =	wrdreg $0x60  }
0xae: {  	[dreg:$0x2] =	wrdreg s2  }
0xaf: {  	[dreg:$0x3] =	wrdreg s24  }
0xb0: {  	[dreg:$0x4] =	wrdreg $0x9  }
0xb1: {  	_ =	task.clear_ibuf [dreg:s7], $0x5FFFF;
	_ =	strace $0x90000046  }
0xb2: {  	s29 =	simm.s32 $0x9;
	_ =	strace $0x80000048  }
0xb3: {  	_ =	swait.ge [sflag:s29], $0x1  }
0xb4: {  	[sflag:s29] =	ssyncadd.s32 $0xFFFFFFFF  }
0xb5: {  	_ =	strace $0x90000048  }
0xb6: {  	_ =	sfence  }
0xb7: {  	s30 =	sld [smem:$0x0];
	_ =	sdelay $0x2  }
0xb8: {  	s31 =	sshll.u32 s1, $0xD;
	s1 =	sshrl.u32 s1, $0x2  }
0xb9: {  	s3 =	sand.u32 $0x4000, s31;
	s1 =	sadd.s32 s1, s30  }
0xba: {  	s0 =	sor.u32 s3, s0;
	s1 =	sshll.u32 s1, $0x11  }
0xbb: {  	s0 =	sor.u32 s1, s0  }
0xbc: {  	s0 =	sadd.s32 $0x8F2B, s0  }
0xbd: {  	[sflag:s0] =	ssyncadd.remote.s32 $0x1  }
0xbe: {  	_ =	sfence.sel $0xFFFF  }
0xbf: {  	[dreg:$0x0] =	wrdreg $0xFFFFFFFF;
	(pc) =	sbr.abs _section_cstart, $3  }
0xc0: {  	[dreg:$0x1] =	wrdreg $0xFFFFFFFF  }
0xc1: {  	_ =	task.clear_ibuf [dreg:s7], $0x2FFFF;
	_ =	strace $0x9FFFFFFF  }
0xc2: {  	(tm) =	ssettm $0x7FFFFFFF  }
0xc3: {  	_ =	shalt  }
tec
execute0_lowered:
.L_overlay_start_1:
0x0: {  	(tag) =	ssettag $0x1  }
0x1: {  	v0 =	vimm.s32 $0x2380;
	vm0 =	vcmask $0x300  }
0x2: {  	vm1 =	vcmask $0x704;
	v0 =	vsel vm0, $0x0, v0  }
0x3: {  	vm2 =	vcmask $0xB08;
	v0 =	vsel vm1, $0x80, v0  }
0x4: {  	vm3 =	vcmask $0xF0C;
	v0 =	vsel vm2, $0x100, v0  }
0x5: {  	vm4 =	vcmask $0x1310;
	v0 =	vsel vm3, $0x180, v0  }
0x6: {  	vm5 =	vcmask $0x1714;
	v0 =	vsel vm4, $0x200, v0  }
0x7: {  	vm6 =	vcmask $0x1B18;
	v0 =	vsel vm5, $0x280, v0  }
0x8: {  	vm7 =	vcmask $0x1F1C;
	v0 =	vsel vm6, $0x300, v0  }
0x9: {  	vm8 =	vcmask $0x2320;
	v0 =	vsel vm7, $0x380, v0  }
0xa: {  	vm9 =	vcmask $0x2724;
	v0 =	vsel vm8, $0x2000, v0  }
0xb: {  	s3 =	rddreg [dreg:$0x0];
	vm10 =	vcmask $0x2B28;
	v0 =	vsel vm9, $0x2080, v0  }
0xc: {  	s5 =	rddreg [dreg:$0x1];
	s2 =	srdreg.scid;
	vm11 =	vcmask $0x2F2C;
	v0 =	vsel vm10, $0x2100, v0  }
0xd: {  	s0 =	rddreg [dreg:$0x2];
	s1 =	stileid.u32;
	vm12 =	vcmask $0x3330;
	s6 =	sand.u32 $0x1, s2;
	v0 =	vsel vm11, $0x2180, v0  }
0xe: {  	vm13 =	vcmask $0x3734;
	s2 =	simm.s32 $0x0;
	s4 =	sshll.u32 s1, $0xE;
	s7 =	sshll.u32 s6, $0xD;
	v0 =	vsel vm12, $0x2200, v0  }
0xf: {  	vm14 =	vcmask $0x3B38;
	[smem:$0x7FF] =	sst s2;
	s7 =	sor.u32 s7, s4;
	v0 =	vsel vm13, $0x2280, v0  }
0x10: {  	_ =	strace $0x80000047;
	s4 =	simm.s32 $0x1;
	s3 =	sadd.s32 s3, s7;
	v0 =	vsel vm14, $0x2300, v0  }
0x11: {  	[tilespmem:s2], [sflag:$0x1] =	stream.linear.gather [hbm4b:s3+s2], $0x10000, $0x38;
	[tilespmem:$0x10000] =	vst v63  }
0x12: {  	_ =	swait.ge [sflag:s4], $0x10000  }
0x13: {  	[sflag:s4] =	ssyncset.done $0x0  }
0x14: {  	[sflag:s4] =	ssyncadd.s32 $0xFFFF0000  }
0x15: {  	v1 =	vld.idx.msk [tilespmem:v0+s2+$0x0], $0xffff;
	_ =	sdelay $0x4  }
0x16: {  	v1 =	vsub.f32 $5.000000000e-01, v1;
	_ =	sdelay $0x1  }
0x17: {  	v1 =	vmul.f32 $1.000000000e+01, v1;
	_ =	sdelay $0x1  }
0x18: {  	v1 =	vmul.f32 $1.442695020e+00, v1;
	_ =	sdelay $0x1  }
0x19: {  	(erf) = vpow2.f32 v1;
	_ =	sdelay $0x3  }
0x1a: {  	v1 =	vimm.s32 $0x2381  }
0x1b: {  	v2 =	vimm.s32 $0x6380;
	v1 =	vsel vm0, $0x1, v1  }
0x1c: {  	v2 =	vsel vm0, $0x4000, v2;
	v1 =	vsel vm1, $0x81, v1  }
0x1d: {  	v2 =	vsel vm1, $0x4080, v2;
	v1 =	vsel vm2, $0x101, v1  }
0x1e: {  	v2 =	vsel vm2, $0x4100, v2;
	v1 =	vsel vm3, $0x181, v1  }
0x1f: {  	v2 =	vsel vm3, $0x4180, v2;
	v1 =	vsel vm4, $0x201, v1;
	v3 =	vpop (erf)  }
0x20: {  	v2 =	vsel vm4, $0x4200, v2;
	v1 =	vsel vm5, $0x281, v1;
	v3 =	vadd.f32 $1.000000000e+00, v3  }
0x21: {  	v2 =	vsel vm5, $0x4280, v2;
	v1 =	vsel vm6, $0x301, v1  }
0x22: {  	v2 =	vsel vm6, $0x4300, v2;
	v1 =	vsel vm7, $0x381, v1;
	(erf) = vrcp.f32 v3  }
0x23: {  	v2 =	vsel vm7, $0x4380, v2;
	v1 =	vsel vm8, $0x2001, v1  }
0x24: {  	v2 =	vsel vm8, $0x6000, v2;
	v1 =	vsel vm9, $0x2081, v1  }
0x25: {  	v2 =	vsel vm9, $0x6080, v2;
	v1 =	vsel vm10, $0x2101, v1  }
0x26: {  	v2 =	vsel vm10, $0x6100, v2;
	v1 =	vsel vm11, $0x2181, v1  }
0x27: {  	v2 =	vsel vm11, $0x6180, v2;
	v1 =	vsel vm12, $0x2201, v1  }
0x28: {  	v2 =	vsel vm12, $0x6200, v2;
	v1 =	vsel vm13, $0x2281, v1  }
0x29: {  	v2 =	vsel vm13, $0x6280, v2;
	v1 =	vsel vm14, $0x2301, v1  }
0x2a: {  	v2 =	vsel vm14, $0x6300, v2  }
0x2b: {  	v3 =	vpop (erf)  }
0x2c: {  	v3 =	vmul.f32 $8.999999760e-01, v3;
	_ =	sdelay $0x1  }
0x2d: {  	[tilespmem:v1+s2+$0x0] =	vst.idx.msk $0xffff, v3  }
0x2e: {  	v3 =	vld.idx.msk [tilespmem:v2+s2+$0x0], $0xffff;
	_ =	sdelay $0x4  }
0x2f: {  	v3 =	vsub.f32 $5.000000000e-01, v3;
	_ =	sdelay $0x1  }
0x30: {  	v3 =	vmul.f32 $1.000000000e+01, v3;
	_ =	sdelay $0x1  }
0x31: {  	v3 =	vmul.f32 $1.442695020e+00, v3;
	_ =	sdelay $0x1  }
0x32: {  	(erf) = vpow2.f32 v3;
	_ =	sdelay $0x3  }
0x33: {  	v3 =	vimm.s32 $0x6381  }
0x34: {  	v4 =	vimm.s32 $0xA380;
	v3 =	vsel vm0, $0x4001, v3  }
0x35: {  	v4 =	vsel vm0, $0x8000, v4;
	v3 =	vsel vm1, $0x4081, v3  }
0x36: {  	v4 =	vsel vm1, $0x8080, v4;
	v3 =	vsel vm2, $0x4101, v3  }
0x37: {  	v4 =	vsel vm2, $0x8100, v4;
	v3 =	vsel vm3, $0x4181, v3  }
0x38: {  	v4 =	vsel vm3, $0x8180, v4;
	v3 =	vsel vm4, $0x4201, v3;
	v5 =	vpop (erf)  }
0x39: {  	v4 =	vsel vm4, $0x8200, v4;
	v3 =	vsel vm5, $0x4281, v3;
	v5 =	vadd.f32 $1.000000000e+00, v5  }
0x3a: {  	v4 =	vsel vm5, $0x8280, v4;
	v3 =	vsel vm6, $0x4301, v3  }
0x3b: {  	v4 =	vsel vm6, $0x8300, v4;
	v3 =	vsel vm7, $0x4381, v3;
	(erf) = vrcp.f32 v5  }
0x3c: {  	v4 =	vsel vm7, $0x8380, v4;
	v3 =	vsel vm8, $0x6001, v3  }
0x3d: {  	v4 =	vsel vm8, $0xA000, v4;
	v3 =	vsel vm9, $0x6081, v3  }
0x3e: {  	v4 =	vsel vm9, $0xA080, v4;
	v3 =	vsel vm10, $0x6101, v3  }
0x3f: {  	v4 =	vsel vm10, $0xA100, v4;
	v3 =	vsel vm11, $0x6181, v3  }
0x40: {  	v4 =	vsel vm11, $0xA180, v4;
	v3 =	vsel vm12, $0x6201, v3  }
0x41: {  	v4 =	vsel vm12, $0xA200, v4;
	v3 =	vsel vm13, $0x6281, v3  }
0x42: {  	v4 =	vsel vm13, $0xA280, v4;
	v3 =	vsel vm14, $0x6301, v3  }
0x43: {  	v4 =	vsel vm14, $0xA300, v4  }
0x44: {  	v5 =	vpop (erf)  }
0x45: {  	v5 =	vmul.f32 $8.999999760e-01, v5;
	_ =	sdelay $0x1  }
0x46: {  	[tilespmem:v3+s2+$0x0] =	vst.idx.msk $0xffff, v5  }
0x47: {  	v5 =	vld.idx.msk [tilespmem:v4+s2+$0x0], $0xffff;
	_ =	sdelay $0x4  }
0x48: {  	v5 =	vsub.f32 $5.000000000e-01, v5;
	_ =	sdelay $0x1  }
0x49: {  	v5 =	vmul.f32 $1.000000000e+01, v5;
	_ =	sdelay $0x1  }
0x4a: {  	v5 =	vmul.f32 $1.442695020e+00, v5;
	_ =	sdelay $0x1  }
0x4b: {  	(erf) = vpow2.f32 v5;
	_ =	sdelay $0x3  }
0x4c: {  	v5 =	vimm.s32 $0xA381  }
0x4d: {  	v6 =	vimm.s32 $0xE380;
	v5 =	vsel vm0, $0x8001, v5  }
0x4e: {  	v6 =	vsel vm0, $0xC000, v6;
	v5 =	vsel vm1, $0x8081, v5  }
0x4f: {  	v6 =	vsel vm1, $0xC080, v6;
	v5 =	vsel vm2, $0x8101, v5  }
0x50: {  	v6 =	vsel vm2, $0xC100, v6;
	v5 =	vsel vm3, $0x8181, v5  }
0x51: {  	v6 =	vsel vm3, $0xC180, v6;
	v5 =	vsel vm4, $0x8201, v5;
	v7 =	vpop (erf)  }
0x52: {  	v6 =	vsel vm4, $0xC200, v6;
	v5 =	vsel vm5, $0x8281, v5;
	v7 =	vadd.f32 $1.000000000e+00, v7  }
0x53: {  	v6 =	vsel vm5, $0xC280, v6;
	v5 =	vsel vm6, $0x8301, v5  }
0x54: {  	v6 =	vsel vm6, $0xC300, v6;
	v5 =	vsel vm7, $0x8381, v5;
	(erf) = vrcp.f32 v7  }
0x55: {  	v6 =	vsel vm7, $0xC380, v6;
	v5 =	vsel vm8, $0xA001, v5  }
0x56: {  	v6 =	vsel vm8, $0xE000, v6;
	v5 =	vsel vm9, $0xA081, v5  }
0x57: {  	v6 =	vsel vm9, $0xE080, v6;
	v5 =	vsel vm10, $0xA101, v5  }
0x58: {  	v6 =	vsel vm10, $0xE100, v6;
	v5 =	vsel vm11, $0xA181, v5  }
0x59: {  	v6 =	vsel vm11, $0xE180, v6;
	v5 =	vsel vm12, $0xA201, v5  }
0x5a: {  	v6 =	vsel vm12, $0xE200, v6;
	v5 =	vsel vm13, $0xA281, v5  }
0x5b: {  	v6 =	vsel vm13, $0xE280, v6;
	v5 =	vsel vm14, $0xA301, v5  }
0x5c: {  	v6 =	vsel vm14, $0xE300, v6  }
0x5d: {  	v7 =	vpop (erf)  }
0x5e: {  	v7 =	vmul.f32 $8.999999760e-01, v7;
	_ =	sdelay $0x1  }
0x5f: {  	[tilespmem:v5+s2+$0x0] =	vst.idx.msk $0xffff, v7  }
0x60: {  	v7 =	vld.idx.msk [tilespmem:v6+s2+$0x0], $0xffff;
	_ =	sdelay $0x4  }
0x61: {  	v7 =	vsub.f32 $5.000000000e-01, v7;
	_ =	sdelay $0x1  }
0x62: {  	v7 =	vmul.f32 $1.000000000e+01, v7;
	_ =	sdelay $0x1  }
0x63: {  	v7 =	vmul.f32 $1.442695020e+00, v7;
	_ =	sdelay $0x1  }
0x64: {  	(erf) = vpow2.f32 v7;
	_ =	sdelay $0x3  }
0x65: {  	v7 =	vimm.s32 $0xE381  }
0x66: {  	v7 =	vsel vm0, $0xC001, v7  }
0x67: {  	v7 =	vsel vm1, $0xC081, v7  }
0x68: {  	v7 =	vsel vm2, $0xC101, v7  }
0x69: {  	v7 =	vsel vm3, $0xC181, v7  }
0x6a: {  	v7 =	vsel vm4, $0xC201, v7;
	v8 =	vpop (erf)  }
0x6b: {  	v7 =	vsel vm5, $0xC281, v7;
	v8 =	vadd.f32 $1.000000000e+00, v8  }
0x6c: {  	v7 =	vsel vm6, $0xC301, v7  }
0x6d: {  	v7 =	vsel vm7, $0xC381, v7;
	(erf) = vrcp.f32 v8  }
0x6e: {  	v7 =	vsel vm8, $0xE001, v7  }
0x6f: {  	v7 =	vsel vm9, $0xE081, v7  }
0x70: {  	v7 =	vsel vm10, $0xE101, v7  }
0x71: {  	v7 =	vsel vm11, $0xE181, v7  }
0x72: {  	v7 =	vsel vm12, $0xE201, v7  }
0x73: {  	s6 =	ssub.s32 $0x2, s6;
	v7 =	vsel vm13, $0xE281, v7  }
0x74: {  	s8 =	sshrl.u32 s6, $0x1;
	v7 =	vsel vm14, $0xE301, v7  }
0x75: {  	s6 =	ssub.s32 s6, s8  }
0x76: {  	s31 =	smax.u32 s6, $0x1;
	v8 =	vpop (erf)  }
0x77: {  	p0 =	sne.s32 s31, $0x1;
	v8 =	vmul.f32 $8.999999760e-01, v8  }
.Ltmp0:
0x78: {  	s5 =	sadd.s32 s7, s5;
	(pc) =	sbr.rel @!p0 .LBB2_2-.Ltmp0, $4  }
0x79: {  	s5 =	sadd.s32 $0x600, s5;
	s6 =	simm.s32 $0x2;
	[tilespmem:v7+s2+$0x0] =	vst.idx.msk $0xffff, v8  }
0x7a: {  	[hbm4b:s5+s2] =	stream.linear.scatter [tilespmem:s2], [sflag:$0x2], $0x10000, $0x38;
	[tilespmem:$0x10000] =	vst v63  }
0x7b: {  	_ =	swait.ge [sflag:s6], $0x10000  }
0x7c: {  	s7 =	sadd.s32 $0xFFFFFFFF, s31;
	[sflag:s6] =	ssyncset.done $0x0  }
.LBB2_1:
0x7d: {  	p0 =	sne.s32 s7, $0x1;
	s7 =	sadd.s32 $0xFFFFFFFF, s7;
	[sflag:s6] =	ssyncadd.s32 $0xFFFF0000  }
0x7e: {  	[tilespmem:s2], [sflag:$0x1] =	stream.linear.gather [hbm4b:s3+s2], $0x10000, $0x38;
	[tilespmem:$0x10000] =	vst v63  }
0x7f: {  	_ =	swait.ge [sflag:s4], $0x10000  }
0x80: {  	[sflag:s4] =	ssyncset.done $0x0  }
0x81: {  	[sflag:s4] =	ssyncadd.s32 $0xFFFF0000  }
0x82: {  	v8 =	vld.idx.msk [tilespmem:v0+s2+$0x0], $0xffff;
	_ =	sdelay $0x5  }
0x83: {  	v8 =	vsub.f32 $5.000000000e-01, v8;
	_ =	sdelay $0x1  }
0x84: {  	v8 =	vmul.f32 $1.000000000e+01, v8;
	_ =	sdelay $0x1  }
0x85: {  	v8 =	vmul.f32 $1.442695020e+00, v8;
	_ =	sdelay $0x1  }
0x86: {  	(erf) = vpow2.f32 v8;
	_ =	sdelay $0x8  }
0x87: {  	v8 =	vpop (erf)  }
0x88: {  	v8 =	vadd.f32 $1.000000000e+00, v8;
	_ =	sdelay $0x1  }
0x89: {  	(erf) = vrcp.f32 v8;
	_ =	sdelay $0x8  }
0x8a: {  	v8 =	vpop (erf)  }
0x8b: {  	v8 =	vmul.f32 $8.999999760e-01, v8;
	_ =	sdelay $0x1  }
0x8c: {  	[tilespmem:v1+s2+$0x0] =	vst.idx.msk $0xffff, v8  }
0x8d: {  	v8 =	vld.idx.msk [tilespmem:v2+s2+$0x0], $0xffff;
	_ =	sdelay $0x5  }
0x8e: {  	v8 =	vsub.f32 $5.000000000e-01, v8;
	_ =	sdelay $0x1  }
0x8f: {  	v8 =	vmul.f32 $1.000000000e+01, v8;
	_ =	sdelay $0x1  }
0x90: {  	v8 =	vmul.f32 $1.442695020e+00, v8;
	_ =	sdelay $0x1  }
0x91: {  	(erf) = vpow2.f32 v8;
	_ =	sdelay $0x8  }
0x92: {  	v8 =	vpop (erf)  }
0x93: {  	v8 =	vadd.f32 $1.000000000e+00, v8;
	_ =	sdelay $0x1  }
0x94: {  	(erf) = vrcp.f32 v8;
	_ =	sdelay $0x8  }
0x95: {  	v8 =	vpop (erf)  }
0x96: {  	v8 =	vmul.f32 $8.999999760e-01, v8;
	_ =	sdelay $0x1  }
0x97: {  	[tilespmem:v3+s2+$0x0] =	vst.idx.msk $0xffff, v8  }
0x98: {  	v8 =	vld.idx.msk [tilespmem:v4+s2+$0x0], $0xffff;
	_ =	sdelay $0x5  }
0x99: {  	v8 =	vsub.f32 $5.000000000e-01, v8;
	_ =	sdelay $0x1  }
0x9a: {  	v8 =	vmul.f32 $1.000000000e+01, v8;
	_ =	sdelay $0x1  }
0x9b: {  	v8 =	vmul.f32 $1.442695020e+00, v8;
	_ =	sdelay $0x1  }
0x9c: {  	(erf) = vpow2.f32 v8;
	_ =	sdelay $0x8  }
0x9d: {  	v8 =	vpop (erf)  }
0x9e: {  	v8 =	vadd.f32 $1.000000000e+00, v8;
	_ =	sdelay $0x1  }
0x9f: {  	(erf) = vrcp.f32 v8;
	_ =	sdelay $0x8  }
0xa0: {  	v8 =	vpop (erf)  }
0xa1: {  	v8 =	vmul.f32 $8.999999760e-01, v8;
	_ =	sdelay $0x1  }
0xa2: {  	[tilespmem:v5+s2+$0x0] =	vst.idx.msk $0xffff, v8  }
0xa3: {  	v8 =	vld.idx.msk [tilespmem:v6+s2+$0x0], $0xffff;
	_ =	sdelay $0x5  }
0xa4: {  	v8 =	vsub.f32 $5.000000000e-01, v8;
	_ =	sdelay $0x1  }
0xa5: {  	v8 =	vmul.f32 $1.000000000e+01, v8;
	_ =	sdelay $0x1  }
0xa6: {  	v8 =	vmul.f32 $1.442695020e+00, v8;
	_ =	sdelay $0x1  }
0xa7: {  	(erf) = vpow2.f32 v8;
	_ =	sdelay $0x8  }
0xa8: {  	v8 =	vpop (erf)  }
0xa9: {  	v8 =	vadd.f32 $1.000000000e+00, v8;
	_ =	sdelay $0x1  }
0xaa: {  	(erf) = vrcp.f32 v8;
	_ =	sdelay $0x8  }
0xab: {  	v8 =	vpop (erf)  }
0xac: {  	v8 =	vmul.f32 $8.999999760e-01, v8  }
.Ltmp1:
0xad: {  	(pc) =	sbr.rel @p0 .LBB2_1-.Ltmp1, $4  }
0xae: {  	[tilespmem:v7+s2+$0x0] =	vst.idx.msk $0xffff, v8  }
0xaf: {  	[hbm4b:s5+s2] =	stream.linear.scatter [tilespmem:s2], [sflag:$0x2], $0x10000, $0x38;
	[tilespmem:$0x10000] =	vst v63  }
0xb0: {  	_ =	swait.ge [sflag:s6], $0x10000  }
0xb1: {  	[sflag:s6] =	ssyncset.done $0x0  }
.LBB2_2:
0xb2: {  	[sflag:s6] =	ssyncadd.s32 $0xFFFF0000  }
0xb3: {  	_ =	sfence.sel $0x180000  }
0xb4: {  	[bflag:$0x0] =	sbarrier.arrive $0xFFFF  }
0xb5: {  	p0 =	sne.s32 s1, $0x0;
	_ =	strace $0x90000047  }
0xb6: {  	s0 =	sadd.s32 @!p0 $0x100000, s0;
	[bflag:$0x2] =	sbarrier.arrive $0xFFFF  }
0xb7: {  	[sflag:s0] =	ssyncadd.tile.s32 @!p0 $0x1;
	_ =	shalt  }
.Lfunc_end2:
_tile_overlayer_lowered:
.L_overlay_start_2:
0xb8: {  	(tag) =	ssettag $0x2  }
0xb9: {  	s0 =	rddreg [dreg:$0x0];
	s2 =	stileid.u32  }
0xba: {  	s1 =	rddreg [dreg:$0x1];
	p0 =	sne.s32 s2, $0x0  }
0xbb: {  	s3 =	rddreg [dreg:$0x2];
	[bflag:$0x3] =	sbarrier.arrive $0xFFFF;
	s2 =	simm.s32 @!p0 $0x1C02  }
0xbc: {  	[timem:s3], [sflag:s2] =	dma.local @!p0 [hbm:s0], s1  }
0xbd: {  	s0 =	simm.s32 @!p0 $0x2  }
0xbe: {  	_ =	swait.ge @!p0 [sflag:s0], s1  }
0xbf: {  	s1 =	ssub.s32 @!p0 $0x0, s1;
	[sflag:s0] =	ssyncset.done @!p0 $0x0  }
0xc0: {  	[sflag:s0] =	ssyncadd.s32 @!p0 s1  }
0xc1: {  	[bflag:$0x3] =	sbarrier.arrive $0xFFFF  }
0xc2: {  	_ =	shalt  }

</sc_bundles>
